<compile_context>
chip_gen: v7x
topology: tpu7x:2x2x1
jax: 0.10.2.dev20260603
libtpu: 0.0.44.dev20260713+nightly
codegen_flags: <defaults>
</compile_context>

<pallas_src>
import functools

import jax
import jax.numpy as jnp
from jax import lax
from jax.experimental import pallas as pl
from jax.experimental.pallas import tpu as pltpu
from jax.experimental.pallas import tpu_sc as plsc

VOCAB = 1000000
EMB = 64
CTX = 200

NUM_WORKERS = 32
ROWS_PER_WORKER = 8
ACTIVE_WORKERS = CTX // ROWS_PER_WORKER

BK = 16384


def _sc_gather_mean(context, emb_table):
    mesh = plsc.VectorSubcoreMesh(core_axis_name="c", subcore_axis_name="s")

    @functools.partial(
        pl.kernel,
        mesh=mesh,
        out_type=jax.ShapeDtypeStruct((NUM_WORKERS * EMB,), jnp.float32),
        scratch_types=[
            pltpu.VMEM((ROWS_PER_WORKER,), jnp.int32),
            pltpu.VMEM((ROWS_PER_WORKER, EMB), jnp.float32),
            pltpu.VMEM((EMB,), jnp.float32),
            pltpu.SemaphoreType.DMA,
        ],
        compiler_params=pltpu.CompilerParams(use_tc_tiling_on_sc=False),
    )
    def sc_kernel(ctx_hbm, emb_hbm, out_hbm, idx_v, rows_v, acc_v, sem):
        nc = 2
        wid = lax.axis_index("s") * nc + lax.axis_index("c")

        @pl.when(wid < ACTIVE_WORKERS)
        def _():
            pltpu.sync_copy(ctx_hbm.at[pl.ds(wid * ROWS_PER_WORKER,
                                             ROWS_PER_WORKER)], idx_v)
            pltpu.async_copy(emb_hbm.at[idx_v], rows_v, sem).wait()
            for c in range(EMB // 16):
                s = rows_v[0, pl.ds(c * 16, 16)]
                for r in range(1, ROWS_PER_WORKER):
                    s = s + rows_v[r, pl.ds(c * 16, 16)]
                acc_v[pl.ds(c * 16, 16)] = s * (1.0 / CTX)

        @pl.when(wid >= ACTIVE_WORKERS)
        def _():
            for c in range(EMB // 16):
                acc_v[pl.ds(c * 16, 16)] = jnp.zeros((16,), jnp.float32)

        pltpu.sync_copy(acc_v, out_hbm.at[pl.ds(wid * EMB, EMB)])

    return sc_kernel(context, emb_table)


def _tc_body(p_ref, w_ref, b_ref, o_ref):
    avg = jnp.sum(p_ref[...], axis=0, keepdims=True)
    o_ref[...] = lax.dot_general(
        avg, w_ref[...], (((1,), (1,)), ((), ())),
        preferred_element_type=jnp.float32) + b_ref[...]


def kernel(context, emb_table, W, b):
    partial = _sc_gather_mean(context.astype(jnp.int32), emb_table)
    psum = partial.reshape(NUM_WORKERS, EMB)
    out = pl.pallas_call(
        _tc_body,
        grid=(pl.cdiv(VOCAB, BK),),
        in_specs=[
            pl.BlockSpec((NUM_WORKERS, EMB), lambda i: (0, 0)),
            pl.BlockSpec((BK, EMB), lambda i: (i, 0)),
            pl.BlockSpec((1, BK), lambda i: (0, i)),
        ],
        out_specs=pl.BlockSpec((1, BK), lambda i: (0, i)),
        out_shape=jax.ShapeDtypeStruct((1, VOCAB), jnp.float32),
    )(psum, W, b.reshape(1, VOCAB))
    return out

# --- scband reference (transcript-rebuilt; emitter-appended) ---
"""Pipeline reference for scband-cbowmodel-31860067402432 (READ-ONLY COPY).

The authoritative reference and input builder live on the scoring server;
editing this copy changes nothing except your own understanding.
"""

import jax, jax.numpy as jnp
import numpy as np

VOCAB = 1000000
EMB = 64
CTX = 200

def setup_inputs(seed: int = 0) -> dict:
    key = jax.random.key(seed)
    k1, k2, k3, k4 = jax.random.split(key, 4)
    context = jax.random.randint(k1, (CTX,), 0, VOCAB, dtype=jnp.int64 if jax.config.jax_enable_x64 else jnp.int32)
    emb_table = jax.random.normal(k2, (VOCAB, EMB), dtype=jnp.float32) * 0.02
    # nn.Linear(embedding_dim, vocab_size): weight [vocab, emb], bias [vocab]
    W = jax.random.normal(k3, (VOCAB, EMB), dtype=jnp.float32) * 0.02
    b = jax.random.normal(k4, (VOCAB,), dtype=jnp.float32) * 0.01
    return {"context": context, "emb_table": emb_table, "W": W, "b": b}

def reference(context, emb_table, W, b):
    # embeds = self.embeddings(context) -> [CTX, EMB]
    embeds = jnp.take(emb_table, context, axis=0)
    # avg_embed = mean over dim=0, unsqueeze(0) -> [1, EMB]
    avg_embed = jnp.mean(embeds, axis=0)[None, :]
    # out = self.linear(avg_embed) -> [1, VOCAB]
    out = avg_embed @ W.T + b[None, :]
    return out

if __name__ == "__main__":
    import jax
    _d = setup_inputs()
    print(jax.jit(kernel)(*tuple(_d.values())))

</pallas_src>

<mosaic_0001>
#map = affine_map<(d0, d1) -> (0)>
#map1 = affine_map<(d0, d1) -> (0, 0)>
module attributes {stable_mosaic.version = 14 : i64} {
  func.func @sc_kernel(%arg0: i32, %arg1: i32, %arg2: memref<200xi32, #tpu.memory_space<hbm>>, %arg3: memref<1000000x64xf32, #tpu.memory_space<hbm>>, %arg4: memref<2048xf32, #tpu.memory_space<hbm>>, %arg5: memref<8xi32, #tpu.memory_space<vmem>>, %arg6: memref<8x64xf32, #tpu.memory_space<vmem>>, %arg7: memref<64xf32, #tpu.memory_space<vmem>>, %arg8: memref<!tpu.dma_semaphore, #tpu.memory_space<semaphore_mem>>) attributes {dimension_semantics = [#tpu.dimension_semantics<core_parallel>, #tpu.dimension_semantics<subcore_parallel>], iteration_bounds = array<i64: 2, 16>, scalar_prefetch = 0 : i64, scratch_operands = 4 : i64, tpu.core_type = #tpu.core_type<sc_vector_subcore>, window_params = [{transform_indices = #map}, {transform_indices = #map1}, {transform_indices = #map}]} {
    %mul3A = arith.constant 2 : i32
    %mul3A_0 = arith.muli %arg1, %mul3A : i32
    %add3A = arith.addi %mul3A_0, %arg0 : i32
    %lt3A = arith.constant 25 : i32
    %lt3A_1 = arith.cmpi slt, %add3A, %lt3A : i32
    %convert_element_type3A = arith.extui %lt3A_1 : i1 to i32
    %cond3A = arith.constant 0 : i32
    %cond3A_2 = arith.cmpi ne, %convert_element_type3A, %cond3A : i32
    scf.if %cond3A_2 {
      %mul3A_9 = arith.constant 8 : i32
      %mul3A_10 = arith.muli %add3A, %mul3A_9 : i32
      "tpu.region"() ({
        %run_scoped3A = tpu.sem_alloc : memref<!tpu.dma_semaphore, #tpu.memory_space<semaphore_mem>>
        %dma_start3A_229 = tpu.memref_slice %arg2[%mul3A_10] : memref<200xi32, #tpu.memory_space<hbm>> -> memref<8xi32, #tpu.memory_space<hbm>>
        %dma_start3A_230 = tpu.memref_slice %arg2[%mul3A_10] : memref<200xi32, #tpu.memory_space<hbm>> -> memref<8xi32, #tpu.memory_space<hbm>>
        tpu.enqueue_dma source(%dma_start3A_230 : memref<8xi32, #tpu.memory_space<hbm>>) target(%arg5 : memref<8xi32, #tpu.memory_space<vmem>>) target_semaphore(%run_scoped3A : memref<!tpu.dma_semaphore, #tpu.memory_space<semaphore_mem>>)
        %dma_wait3A_231 = tpu.memref_slice %arg2[%mul3A_10] : memref<200xi32, #tpu.memory_space<hbm>> -> memref<8xi32, #tpu.memory_space<hbm>>
        %dma_wait3A_232 = tpu.memref_slice %arg2[%mul3A_10] : memref<200xi32, #tpu.memory_space<hbm>> -> memref<8xi32, #tpu.memory_space<hbm>>
        tpu.wait_dma2 semaphore(%run_scoped3A : memref<!tpu.dma_semaphore, #tpu.memory_space<semaphore_mem>>) src(%dma_wait3A_232 : memref<8xi32, #tpu.memory_space<hbm>>) dst(%arg5 : memref<8xi32, #tpu.memory_space<vmem>>)
        tpu.yield
      }) : () -> ()
      %dma_start3A = arith.constant 0 : i32
      %dma_start3A_11 = arith.constant 0 : i32
      %dma_start3A_12 = tpu.memref_slice %arg3[%dma_start3A, %dma_start3A_11] : memref<1000000x64xf32, #tpu.memory_space<hbm>> -> memref<1000000x64xf32, #tpu.memory_space<hbm>>
      tpu.enqueue_indirect_dma source(%dma_start3A_12 : memref<1000000x64xf32, #tpu.memory_space<hbm>>) target(%arg6 : memref<8x64xf32, #tpu.memory_space<vmem>>) offsets(%arg5 : memref<8xi32, #tpu.memory_space<vmem>>) semaphore(%arg8 : memref<!tpu.dma_semaphore, #tpu.memory_space<semaphore_mem>>)
      %dma_wait3A = arith.constant 0 : i32
      %dma_wait3A_13 = arith.constant 0 : i32
      %dma_wait3A_14 = tpu.memref_slice %arg3[%dma_wait3A, %dma_wait3A_13] : memref<1000000x64xf32, #tpu.memory_space<hbm>> -> memref<1000000x64xf32, #tpu.memory_space<hbm>>
      tpu.wait_indirect_dma semaphore(%arg8 : memref<!tpu.dma_semaphore, #tpu.memory_space<semaphore_mem>>) src(%dma_wait3A_14 : memref<1000000x64xf32, #tpu.memory_space<hbm>>) dst(%arg6 : memref<8x64xf32, #tpu.memory_space<vmem>>)
      %get3A = arith.constant 0 : i32
      %get3A_15 = arith.index_cast %get3A : i32 to index
      %get3A_16 = arith.constant 0 : index
      %get3A_17 = tpu.vector_load %arg6[%get3A_15, %get3A_16] {strides = array<i32>} : memref<8x64xf32, #tpu.memory_space<vmem>>, vector<1x16xf32>,
      %get3A_18 = vector.shape_cast %get3A_17 : vector<1x16xf32> to vector<16xf32>
      %get3A_19 = arith.constant 1 : i32
      %get3A_20 = arith.index_cast %get3A_19 : i32 to index
      %get3A_21 = arith.constant 0 : index
      %get3A_22 = tpu.vector_load %arg6[%get3A_20, %get3A_21] {strides = array<i32>} : memref<8x64xf32, #tpu.memory_space<vmem>>, vector<1x16xf32>,
      %get3A_23 = vector.shape_cast %get3A_22 : vector<1x16xf32> to vector<16xf32>
      %add3A_24 = arith.addf %get3A_18, %get3A_23 : vector<16xf32>
      %get3A_25 = arith.constant 2 : i32
      %get3A_26 = arith.index_cast %get3A_25 : i32 to index
      %get3A_27 = arith.constant 0 : index
      %get3A_28 = tpu.vector_load %arg6[%get3A_26, %get3A_27] {strides = array<i32>} : memref<8x64xf32, #tpu.memory_space<vmem>>, vector<1x16xf32>,
      %get3A_29 = vector.shape_cast %get3A_28 : vector<1x16xf32> to vector<16xf32>
      %add3A_30 = arith.addf %add3A_24, %get3A_29 : vector<16xf32>
      %get3A_31 = arith.constant 3 : i32
      %get3A_32 = arith.index_cast %get3A_31 : i32 to index
      %get3A_33 = arith.constant 0 : index
      %get3A_34 = tpu.vector_load %arg6[%get3A_32, %get3A_33] {strides = array<i32>} : memref<8x64xf32, #tpu.memory_space<vmem>>, vector<1x16xf32>,
      %get3A_35 = vector.shape_cast %get3A_34 : vector<1x16xf32> to vector<16xf32>
      %add3A_36 = arith.addf %add3A_30, %get3A_35 : vector<16xf32>
      %get3A_37 = arith.constant 4 : i32
      %get3A_38 = arith.index_cast %get3A_37 : i32 to index
      %get3A_39 = arith.constant 0 : index
      %get3A_40 = tpu.vector_load %arg6[%get3A_38, %get3A_39] {strides = array<i32>} : memref<8x64xf32, #tpu.memory_space<vmem>>, vector<1x16xf32>,
      %get3A_41 = vector.shape_cast %get3A_40 : vector<1x16xf32> to vector<16xf32>
      %add3A_42 = arith.addf %add3A_36, %get3A_41 : vector<16xf32>
      %get3A_43 = arith.constant 5 : i32
      %get3A_44 = arith.index_cast %get3A_43 : i32 to index
      %get3A_45 = arith.constant 0 : index
      %get3A_46 = tpu.vector_load %arg6[%get3A_44, %get3A_45] {strides = array<i32>} : memref<8x64xf32, #tpu.memory_space<vmem>>, vector<1x16xf32>,
      %get3A_47 = vector.shape_cast %get3A_46 : vector<1x16xf32> to vector<16xf32>
      %add3A_48 = arith.addf %add3A_42, %get3A_47 : vector<16xf32>
      %get3A_49 = arith.constant 6 : i32
      %get3A_50 = arith.index_cast %get3A_49 : i32 to index
      %get3A_51 = arith.constant 0 : index
      %get3A_52 = tpu.vector_load %arg6[%get3A_50, %get3A_51] {strides = array<i32>} : memref<8x64xf32, #tpu.memory_space<vmem>>, vector<1x16xf32>,
      %get3A_53 = vector.shape_cast %get3A_52 : vector<1x16xf32> to vector<16xf32>
      %add3A_54 = arith.addf %add3A_48, %get3A_53 : vector<16xf32>
      %get3A_55 = arith.constant 7 : i32
      %get3A_56 = arith.index_cast %get3A_55 : i32 to index
      %get3A_57 = arith.constant 0 : index
      %get3A_58 = tpu.vector_load %arg6[%get3A_56, %get3A_57] {strides = array<i32>} : memref<8x64xf32, #tpu.memory_space<vmem>>, vector<1x16xf32>,
      %get3A_59 = vector.shape_cast %get3A_58 : vector<1x16xf32> to vector<16xf32>
      %add3A_60 = arith.addf %add3A_54, %get3A_59 : vector<16xf32>
      %mul3A_61 = arith.constant 5.000000e-03 : f32
      %mul3A_62 = vector.broadcast %mul3A_61 : f32 to vector<16xf32>
      %mul3A_63 = arith.mulf %add3A_60, %mul3A_62 : vector<16xf32>
      %swap3A = arith.constant 0 : index
      %swap3A_64 = tpu.vector_load %arg7[%swap3A] {strides = array<i32>} : memref<64xf32, #tpu.memory_space<vmem>>, vector<16xf32>,
      %swap3A_65 = vector.shape_cast %swap3A_64 : vector<16xf32> to vector<16xf32>
      %swap3A_66 = vector.shape_cast %mul3A_63 : vector<16xf32> to vector<16xf32>
      tpu.vector_store %arg7[%swap3A], %swap3A_66 {strides = array<i32>} : memref<64xf32, #tpu.memory_space<vmem>>, vector<16xf32>,
      %get3A_67 = arith.constant 0 : i32
      %get3A_68 = arith.index_cast %get3A_67 : i32 to index
      %get3A_69 = arith.constant 16 : index
      %get3A_70 = tpu.vector_load %arg6[%get3A_68, %get3A_69] {strides = array<i32>} : memref<8x64xf32, #tpu.memory_space<vmem>>, vector<1x16xf32>,
      %get3A_71 = vector.shape_cast %get3A_70 : vector<1x16xf32> to vector<16xf32>
      %get3A_72 = arith.constant 1 : i32
      %get3A_73 = arith.index_cast %get3A_72 : i32 to index
      %get3A_74 = arith.constant 16 : index
      %get3A_75 = tpu.vector_load %arg6[%get3A_73, %get3A_74] {strides = array<i32>} : memref<8x64xf32, #tpu.memory_space<vmem>>, vector<1x16xf32>,
      %get3A_76 = vector.shape_cast %get3A_75 : vector<1x16xf32> to vector<16xf32>
      %add3A_77 = arith.addf %get3A_71, %get3A_76 : vector<16xf32>
      %get3A_78 = arith.constant 2 : i32
      %get3A_79 = arith.index_cast %get3A_78 : i32 to index
      %get3A_80 = arith.constant 16 : index
      %get3A_81 = tpu.vector_load %arg6[%get3A_79, %get3A_80] {strides = array<i32>} : memref<8x64xf32, #tpu.memory_space<vmem>>, vector<1x16xf32>,
      %get3A_82 = vector.shape_cast %get3A_81 : vector<1x16xf32> to vector<16xf32>
      %add3A_83 = arith.addf %add3A_77, %get3A_82 : vector<16xf32>
      %get3A_84 = arith.constant 3 : i32
      %get3A_85 = arith.index_cast %get3A_84 : i32 to index
      %get3A_86 = arith.constant 16 : index
      %get3A_87 = tpu.vector_load %arg6[%get3A_85, %get3A_86] {strides = array<i32>} : memref<8x64xf32, #tpu.memory_space<vmem>>, vector<1x16xf32>,
      %get3A_88 = vector.shape_cast %get3A_87 : vector<1x16xf32> to vector<16xf32>
      %add3A_89 = arith.addf %add3A_83, %get3A_88 : vector<16xf32>
      %get3A_90 = arith.constant 4 : i32
      %get3A_91 = arith.index_cast %get3A_90 : i32 to index
      %get3A_92 = arith.constant 16 : index
      %get3A_93 = tpu.vector_load %arg6[%get3A_91, %get3A_92] {strides = array<i32>} : memref<8x64xf32, #tpu.memory_space<vmem>>, vector<1x16xf32>,
      %get3A_94 = vector.shape_cast %get3A_93 : vector<1x16xf32> to vector<16xf32>
      %add3A_95 = arith.addf %add3A_89, %get3A_94 : vector<16xf32>
      %get3A_96 = arith.constant 5 : i32
      %get3A_97 = arith.index_cast %get3A_96 : i32 to index
      %get3A_98 = arith.constant 16 : index
      %get3A_99 = tpu.vector_load %arg6[%get3A_97, %get3A_98] {strides = array<i32>} : memref<8x64xf32, #tpu.memory_space<vmem>>, vector<1x16xf32>,
      %get3A_100 = vector.shape_cast %get3A_99 : vector<1x16xf32> to vector<16xf32>
      %add3A_101 = arith.addf %add3A_95, %get3A_100 : vector<16xf32>
      %get3A_102 = arith.constant 6 : i32
      %get3A_103 = arith.index_cast %get3A_102 : i32 to index
      %get3A_104 = arith.constant 16 : index
      %get3A_105 = tpu.vector_load %arg6[%get3A_103, %get3A_104] {strides = array<i32>} : memref<8x64xf32, #tpu.memory_space<vmem>>, vector<1x16xf32>,
      %get3A_106 = vector.shape_cast %get3A_105 : vector<1x16xf32> to vector<16xf32>
      %add3A_107 = arith.addf %add3A_101, %get3A_106 : vector<16xf32>
      %get3A_108 = arith.constant 7 : i32
      %get3A_109 = arith.index_cast %get3A_108 : i32 to index
      %get3A_110 = arith.constant 16 : index
      %get3A_111 = tpu.vector_load %arg6[%get3A_109, %get3A_110] {strides = array<i32>} : memref<8x64xf32, #tpu.memory_space<vmem>>, vector<1x16xf32>,
      %get3A_112 = vector.shape_cast %get3A_111 : vector<1x16xf32> to vector<16xf32>
      %add3A_113 = arith.addf %add3A_107, %get3A_112 : vector<16xf32>
      %mul3A_114 = arith.constant 5.000000e-03 : f32
      %mul3A_115 = vector.broadcast %mul3A_114 : f32 to vector<16xf32>
      %mul3A_116 = arith.mulf %add3A_113, %mul3A_115 : vector<16xf32>
      %swap3A_117 = arith.constant 16 : index
      %swap3A_118 = tpu.vector_load %arg7[%swap3A_117] {strides = array<i32>} : memref<64xf32, #tpu.memory_space<vmem>>, vector<16xf32>,
      %swap3A_119 = vector.shape_cast %swap3A_118 : vector<16xf32> to vector<16xf32>
      %swap3A_120 = vector.shape_cast %mul3A_116 : vector<16xf32> to vector<16xf32>
      tpu.vector_store %arg7[%swap3A_117], %swap3A_120 {strides = array<i32>} : memref<64xf32, #tpu.memory_space<vmem>>, vector<16xf32>,
      %get3A_121 = arith.constant 0 : i32
      %get3A_122 = arith.index_cast %get3A_121 : i32 to index
      %get3A_123 = arith.constant 32 : index
      %get3A_124 = tpu.vector_load %arg6[%get3A_122, %get3A_123] {strides = array<i32>} : memref<8x64xf32, #tpu.memory_space<vmem>>, vector<1x16xf32>,
      %get3A_125 = vector.shape_cast %get3A_124 : vector<1x16xf32> to vector<16xf32>
      %get3A_126 = arith.constant 1 : i32
      %get3A_127 = arith.index_cast %get3A_126 : i32 to index
      %get3A_128 = arith.constant 32 : index
      %get3A_129 = tpu.vector_load %arg6[%get3A_127, %get3A_128] {strides = array<i32>} : memref<8x64xf32, #tpu.memory_space<vmem>>, vector<1x16xf32>,
      %get3A_130 = vector.shape_cast %get3A_129 : vector<1x16xf32> to vector<16xf32>
      %add3A_131 = arith.addf %get3A_125, %get3A_130 : vector<16xf32>
      %get3A_132 = arith.constant 2 : i32
      %get3A_133 = arith.index_cast %get3A_132 : i32 to index
      %get3A_134 = arith.constant 32 : index
      %get3A_135 = tpu.vector_load %arg6[%get3A_133, %get3A_134] {strides = array<i32>} : memref<8x64xf32, #tpu.memory_space<vmem>>, vector<1x16xf32>,
      %get3A_136 = vector.shape_cast %get3A_135 : vector<1x16xf32> to vector<16xf32>
      %add3A_137 = arith.addf %add3A_131, %get3A_136 : vector<16xf32>
      %get3A_138 = arith.constant 3 : i32
      %get3A_139 = arith.index_cast %get3A_138 : i32 to index
      %get3A_140 = arith.constant 32 : index
      %get3A_141 = tpu.vector_load %arg6[%get3A_139, %get3A_140] {strides = array<i32>} : memref<8x64xf32, #tpu.memory_space<vmem>>, vector<1x16xf32>,
      %get3A_142 = vector.shape_cast %get3A_141 : vector<1x16xf32> to vector<16xf32>
      %add3A_143 = arith.addf %add3A_137, %get3A_142 : vector<16xf32>
      %get3A_144 = arith.constant 4 : i32
      %get3A_145 = arith.index_cast %get3A_144 : i32 to index
      %get3A_146 = arith.constant 32 : index
      %get3A_147 = tpu.vector_load %arg6[%get3A_145, %get3A_146] {strides = array<i32>} : memref<8x64xf32, #tpu.memory_space<vmem>>, vector<1x16xf32>,
      %get3A_148 = vector.shape_cast %get3A_147 : vector<1x16xf32> to vector<16xf32>
      %add3A_149 = arith.addf %add3A_143, %get3A_148 : vector<16xf32>
      %get3A_150 = arith.constant 5 : i32
      %get3A_151 = arith.index_cast %get3A_150 : i32 to index
      %get3A_152 = arith.constant 32 : index
      %get3A_153 = tpu.vector_load %arg6[%get3A_151, %get3A_152] {strides = array<i32>} : memref<8x64xf32, #tpu.memory_space<vmem>>, vector<1x16xf32>,
      %get3A_154 = vector.shape_cast %get3A_153 : vector<1x16xf32> to vector<16xf32>
      %add3A_155 = arith.addf %add3A_149, %get3A_154 : vector<16xf32>
      %get3A_156 = arith.constant 6 : i32
      %get3A_157 = arith.index_cast %get3A_156 : i32 to index
      %get3A_158 = arith.constant 32 : index
      %get3A_159 = tpu.vector_load %arg6[%get3A_157, %get3A_158] {strides = array<i32>} : memref<8x64xf32, #tpu.memory_space<vmem>>, vector<1x16xf32>,
      %get3A_160 = vector.shape_cast %get3A_159 : vector<1x16xf32> to vector<16xf32>
      %add3A_161 = arith.addf %add3A_155, %get3A_160 : vector<16xf32>
      %get3A_162 = arith.constant 7 : i32
      %get3A_163 = arith.index_cast %get3A_162 : i32 to index
      %get3A_164 = arith.constant 32 : index
      %get3A_165 = tpu.vector_load %arg6[%get3A_163, %get3A_164] {strides = array<i32>} : memref<8x64xf32, #tpu.memory_space<vmem>>, vector<1x16xf32>,
      %get3A_166 = vector.shape_cast %get3A_165 : vector<1x16xf32> to vector<16xf32>
      %add3A_167 = arith.addf %add3A_161, %get3A_166 : vector<16xf32>
      %mul3A_168 = arith.constant 5.000000e-03 : f32
      %mul3A_169 = vector.broadcast %mul3A_168 : f32 to vector<16xf32>
      %mul3A_170 = arith.mulf %add3A_167, %mul3A_169 : vector<16xf32>
      %swap3A_171 = arith.constant 32 : index
      %swap3A_172 = tpu.vector_load %arg7[%swap3A_171] {strides = array<i32>} : memref<64xf32, #tpu.memory_space<vmem>>, vector<16xf32>,
      %swap3A_173 = vector.shape_cast %swap3A_172 : vector<16xf32> to vector<16xf32>
      %swap3A_174 = vector.shape_cast %mul3A_170 : vector<16xf32> to vector<16xf32>
      tpu.vector_store %arg7[%swap3A_171], %swap3A_174 {strides = array<i32>} : memref<64xf32, #tpu.memory_space<vmem>>, vector<16xf32>,
      %get3A_175 = arith.constant 0 : i32
      %get3A_176 = arith.index_cast %get3A_175 : i32 to index
      %get3A_177 = arith.constant 48 : index
      %get3A_178 = tpu.vector_load %arg6[%get3A_176, %get3A_177] {strides = array<i32>} : memref<8x64xf32, #tpu.memory_space<vmem>>, vector<1x16xf32>,
      %get3A_179 = vector.shape_cast %get3A_178 : vector<1x16xf32> to vector<16xf32>
      %get3A_180 = arith.constant 1 : i32
      %get3A_181 = arith.index_cast %get3A_180 : i32 to index
      %get3A_182 = arith.constant 48 : index
      %get3A_183 = tpu.vector_load %arg6[%get3A_181, %get3A_182] {strides = array<i32>} : memref<8x64xf32, #tpu.memory_space<vmem>>, vector<1x16xf32>,
      %get3A_184 = vector.shape_cast %get3A_183 : vector<1x16xf32> to vector<16xf32>
      %add3A_185 = arith.addf %get3A_179, %get3A_184 : vector<16xf32>
      %get3A_186 = arith.constant 2 : i32
      %get3A_187 = arith.index_cast %get3A_186 : i32 to index
      %get3A_188 = arith.constant 48 : index
      %get3A_189 = tpu.vector_load %arg6[%get3A_187, %get3A_188] {strides = array<i32>} : memref<8x64xf32, #tpu.memory_space<vmem>>, vector<1x16xf32>,
      %get3A_190 = vector.shape_cast %get3A_189 : vector<1x16xf32> to vector<16xf32>
      %add3A_191 = arith.addf %add3A_185, %get3A_190 : vector<16xf32>
      %get3A_192 = arith.constant 3 : i32
      %get3A_193 = arith.index_cast %get3A_192 : i32 to index
      %get3A_194 = arith.constant 48 : index
      %get3A_195 = tpu.vector_load %arg6[%get3A_193, %get3A_194] {strides = array<i32>} : memref<8x64xf32, #tpu.memory_space<vmem>>, vector<1x16xf32>,
      %get3A_196 = vector.shape_cast %get3A_195 : vector<1x16xf32> to vector<16xf32>
      %add3A_197 = arith.addf %add3A_191, %get3A_196 : vector<16xf32>
      %get3A_198 = arith.constant 4 : i32
      %get3A_199 = arith.index_cast %get3A_198 : i32 to index
      %get3A_200 = arith.constant 48 : index
      %get3A_201 = tpu.vector_load %arg6[%get3A_199, %get3A_200] {strides = array<i32>} : memref<8x64xf32, #tpu.memory_space<vmem>>, vector<1x16xf32>,
      %get3A_202 = vector.shape_cast %get3A_201 : vector<1x16xf32> to vector<16xf32>
      %add3A_203 = arith.addf %add3A_197, %get3A_202 : vector<16xf32>
      %get3A_204 = arith.constant 5 : i32
      %get3A_205 = arith.index_cast %get3A_204 : i32 to index
      %get3A_206 = arith.constant 48 : index
      %get3A_207 = tpu.vector_load %arg6[%get3A_205, %get3A_206] {strides = array<i32>} : memref<8x64xf32, #tpu.memory_space<vmem>>, vector<1x16xf32>,
      %get3A_208 = vector.shape_cast %get3A_207 : vector<1x16xf32> to vector<16xf32>
      %add3A_209 = arith.addf %add3A_203, %get3A_208 : vector<16xf32>
      %get3A_210 = arith.constant 6 : i32
      %get3A_211 = arith.index_cast %get3A_210 : i32 to index
      %get3A_212 = arith.constant 48 : index
      %get3A_213 = tpu.vector_load %arg6[%get3A_211, %get3A_212] {strides = array<i32>} : memref<8x64xf32, #tpu.memory_space<vmem>>, vector<1x16xf32>,
      %get3A_214 = vector.shape_cast %get3A_213 : vector<1x16xf32> to vector<16xf32>
      %add3A_215 = arith.addf %add3A_209, %get3A_214 : vector<16xf32>
      %get3A_216 = arith.constant 7 : i32
      %get3A_217 = arith.index_cast %get3A_216 : i32 to index
      %get3A_218 = arith.constant 48 : index
      %get3A_219 = tpu.vector_load %arg6[%get3A_217, %get3A_218] {strides = array<i32>} : memref<8x64xf32, #tpu.memory_space<vmem>>, vector<1x16xf32>,
      %get3A_220 = vector.shape_cast %get3A_219 : vector<1x16xf32> to vector<16xf32>
      %add3A_221 = arith.addf %add3A_215, %get3A_220 : vector<16xf32>
      %mul3A_222 = arith.constant 5.000000e-03 : f32
      %mul3A_223 = vector.broadcast %mul3A_222 : f32 to vector<16xf32>
      %mul3A_224 = arith.mulf %add3A_221, %mul3A_223 : vector<16xf32>
      %swap3A_225 = arith.constant 48 : index
      %swap3A_226 = tpu.vector_load %arg7[%swap3A_225] {strides = array<i32>} : memref<64xf32, #tpu.memory_space<vmem>>, vector<16xf32>,
      %swap3A_227 = vector.shape_cast %swap3A_226 : vector<16xf32> to vector<16xf32>
      %swap3A_228 = vector.shape_cast %mul3A_224 : vector<16xf32> to vector<16xf32>
      tpu.vector_store %arg7[%swap3A_225], %swap3A_228 {strides = array<i32>} : memref<64xf32, #tpu.memory_space<vmem>>, vector<16xf32>,
    } else {
    }
    %ge3A = arith.constant 25 : i32
    %ge3A_3 = arith.cmpi sge, %add3A, %ge3A : i32
    %convert_element_type3A_4 = arith.extui %ge3A_3 : i1 to i32
    %cond3A_5 = arith.constant 0 : i32
    %cond3A_6 = arith.cmpi ne, %convert_element_type3A_4, %cond3A_5 : i32
    scf.if %cond3A_6 {
      %broadcast_in_dim3A = arith.constant 0.000000e+00 : f32
      %broadcast_in_dim3A_9 = vector.broadcast %broadcast_in_dim3A : f32 to vector<16xf32>
      %swap3A = arith.constant 0 : index
      %swap3A_10 = tpu.vector_load %arg7[%swap3A] {strides = array<i32>} : memref<64xf32, #tpu.memory_space<vmem>>, vector<16xf32>,
      %swap3A_11 = vector.shape_cast %swap3A_10 : vector<16xf32> to vector<16xf32>
      %swap3A_12 = vector.shape_cast %broadcast_in_dim3A_9 : vector<16xf32> to vector<16xf32>
      tpu.vector_store %arg7[%swap3A], %swap3A_12 {strides = array<i32>} : memref<64xf32, #tpu.memory_space<vmem>>, vector<16xf32>,
      %broadcast_in_dim3A_13 = arith.constant 0.000000e+00 : f32
      %broadcast_in_dim3A_14 = vector.broadcast %broadcast_in_dim3A_13 : f32 to vector<16xf32>
      %swap3A_15 = arith.constant 16 : index
      %swap3A_16 = tpu.vector_load %arg7[%swap3A_15] {strides = array<i32>} : memref<64xf32, #tpu.memory_space<vmem>>, vector<16xf32>,
      %swap3A_17 = vector.shape_cast %swap3A_16 : vector<16xf32> to vector<16xf32>
      %swap3A_18 = vector.shape_cast %broadcast_in_dim3A_14 : vector<16xf32> to vector<16xf32>
      tpu.vector_store %arg7[%swap3A_15], %swap3A_18 {strides = array<i32>} : memref<64xf32, #tpu.memory_space<vmem>>, vector<16xf32>,
      %broadcast_in_dim3A_19 = arith.constant 0.000000e+00 : f32
      %broadcast_in_dim3A_20 = vector.broadcast %broadcast_in_dim3A_19 : f32 to vector<16xf32>
      %swap3A_21 = arith.constant 32 : index
      %swap3A_22 = tpu.vector_load %arg7[%swap3A_21] {strides = array<i32>} : memref<64xf32, #tpu.memory_space<vmem>>, vector<16xf32>,
      %swap3A_23 = vector.shape_cast %swap3A_22 : vector<16xf32> to vector<16xf32>
      %swap3A_24 = vector.shape_cast %broadcast_in_dim3A_20 : vector<16xf32> to vector<16xf32>
      tpu.vector_store %arg7[%swap3A_21], %swap3A_24 {strides = array<i32>} : memref<64xf32, #tpu.memory_space<vmem>>, vector<16xf32>,
      %broadcast_in_dim3A_25 = arith.constant 0.000000e+00 : f32
      %broadcast_in_dim3A_26 = vector.broadcast %broadcast_in_dim3A_25 : f32 to vector<16xf32>
      %swap3A_27 = arith.constant 48 : index
      %swap3A_28 = tpu.vector_load %arg7[%swap3A_27] {strides = array<i32>} : memref<64xf32, #tpu.memory_space<vmem>>, vector<16xf32>,
      %swap3A_29 = vector.shape_cast %swap3A_28 : vector<16xf32> to vector<16xf32>
      %swap3A_30 = vector.shape_cast %broadcast_in_dim3A_26 : vector<16xf32> to vector<16xf32>
      tpu.vector_store %arg7[%swap3A_27], %swap3A_30 {strides = array<i32>} : memref<64xf32, #tpu.memory_space<vmem>>, vector<16xf32>,
    } else {
    }
    %mul3A_7 = arith.constant 64 : i32
    %mul3A_8 = arith.muli %add3A, %mul3A_7 : i32
    "tpu.region"() ({
      %run_scoped3A = tpu.sem_alloc : memref<!tpu.dma_semaphore, #tpu.memory_space<semaphore_mem>>
      %dma_start3A = tpu.memref_slice %arg4[%mul3A_8] : memref<2048xf32, #tpu.memory_space<hbm>> -> memref<64xf32, #tpu.memory_space<hbm>>
      %dma_start3A_9 = tpu.memref_slice %arg4[%mul3A_8] : memref<2048xf32, #tpu.memory_space<hbm>> -> memref<64xf32, #tpu.memory_space<hbm>>
      tpu.enqueue_dma source(%arg7 : memref<64xf32, #tpu.memory_space<vmem>>) target(%dma_start3A_9 : memref<64xf32, #tpu.memory_space<hbm>>) target_semaphore(%run_scoped3A : memref<!tpu.dma_semaphore, #tpu.memory_space<semaphore_mem>>)
      %dma_wait3A = tpu.memref_slice %arg4[%mul3A_8] : memref<2048xf32, #tpu.memory_space<hbm>> -> memref<64xf32, #tpu.memory_space<hbm>>
      %dma_wait3A_10 = tpu.memref_slice %arg4[%mul3A_8] : memref<2048xf32, #tpu.memory_space<hbm>> -> memref<64xf32, #tpu.memory_space<hbm>>
      tpu.wait_dma2 semaphore(%run_scoped3A : memref<!tpu.dma_semaphore, #tpu.memory_space<semaphore_mem>>) src(%arg7 : memref<64xf32, #tpu.memory_space<vmem>>) dst(%dma_wait3A_10 : memref<64xf32, #tpu.memory_space<hbm>>)
      tpu.yield
    }) : () -> ()
    return
  }
}

module attributes {stable_mosaic.version = 14 : i64} {
  func.func @_tc_body(%arg0: i32, %arg1: memref<32x64xf32, #tpu.memory_space<vmem>>, %arg2: memref<16384x64xf32, #tpu.memory_space<vmem>>, %arg3: memref<1x16384xf32, #tpu.memory_space<vmem>>, %arg4: memref<1x16384xf32, #tpu.memory_space<vmem>>) attributes {dimension_semantics = [#tpu.dimension_semantics<arbitrary>], iteration_bounds = array<i64: 62>, scalar_prefetch = 0 : i64, scratch_operands = 0 : i64, tpu.core_type = #tpu.core_type<tc>, window_params = [{pipeline_mode = #tpu.pipeline_mode<synchronous>, transform_indices = @transform_0, window_bounds = array<i64: 32, 64>}, {transform_indices = @transform_1, window_bounds = array<i64: 16384, 64>}, {transform_indices = @transform_2, window_bounds = array<i64: 1, 16384>}, {transform_indices = @transform_3, window_bounds = array<i64: 1, 16384>}]} {
    %get3A = arith.constant 0 : index
    %get3A_0 = arith.constant 0 : index
    %get3A_1 = vector.load %arg1[%get3A, %get3A_0] : memref<32x64xf32, #tpu.memory_space<vmem>>, vector<32x64xf32>
    %reduce_sum3A = arith.constant dense<0.000000e+00> : vector<64xf32>
    %reduce_sum3A_2 = vector.multi_reduction <add>, %get3A_1, %reduce_sum3A [0] : vector<32x64xf32> to vector<64xf32>
    %broadcast_in_dim3A = vector.shape_cast %reduce_sum3A_2 : vector<64xf32> to vector<1x64xf32>
    %get3A_3 = arith.constant 0 : index
    %get3A_4 = arith.constant 0 : index
    %get3A_5 = vector.load %arg2[%get3A_3, %get3A_4] : memref<16384x64xf32, #tpu.memory_space<vmem>>, vector<16384x64xf32>
    %dot_general3A = arith.constant dense<0.000000e+00> : vector<1x16384xf32>
    %dot_general3A_6 = tpu.matmul %broadcast_in_dim3A, %get3A_5, %dot_general3A {dimension_numbers = #tpu.dot_dimension_numbers<[1], [1], [0], [0], [0, 0, 1, 0], [], []>, transpose_lhs_hint = false} : vector<1x64xf32>, vector<16384x64xf32>, vector<1x16384xf32> -> vector<1x16384xf32>
    %get3A_7 = arith.constant 0 : index
    %get3A_8 = arith.constant 0 : index
    %get3A_9 = vector.load %arg3[%get3A_7, %get3A_8] : memref<1x16384xf32, #tpu.memory_space<vmem>>, vector<1x16384xf32>
    %add3A = arith.addf %dot_general3A_6, %get3A_9 : vector<1x16384xf32>
    %swap3A = arith.constant 0 : index
    %swap3A_10 = arith.constant 0 : index
    %swap3A_11 = vector.load %arg4[%swap3A, %swap3A_10] : memref<1x16384xf32, #tpu.memory_space<vmem>>, vector<1x16384xf32>
    tpu.vector_store %arg4[%swap3A, %swap3A_10], %add3A {strides = array<i32>} : memref<1x16384xf32, #tpu.memory_space<vmem>>, vector<1x16384xf32>,
    return
  }
  func.func @transform_0(%arg0: i32) -> (i32, i32) {
    %c0_i32 = arith.constant 0 : i32
    %c0_i32_0 = arith.constant 0 : i32
    %c0_i32_1 = arith.constant 0 : i32
    return %c0_i32, %c0_i32_0 : i32, i32
  }
  func.func @transform_1(%arg0: i32) -> (i32, i32) {
    %c0_i32 = arith.constant 0 : i32
    %c0_i32_0 = arith.constant 0 : i32
    return %arg0, %c0_i32 : i32, i32
  }
  func.func @transform_2(%arg0: i32) -> (i32, i32) {
    %c0_i32 = arith.constant 0 : i32
    %c0_i32_0 = arith.constant 0 : i32
    return %c0_i32, %arg0 : i32, i32
  }
  func.func @transform_3(%arg0: i32) -> (i32, i32) {
    %c0_i32 = arith.constant 0 : i32
    %c0_i32_0 = arith.constant 0 : i32
    return %c0_i32, %arg0 : i32, i32
  }
}

</mosaic_0001>

<sc_bundles>
// kernel: kernel.4.cloned.1.call-start
scs
__scs_entry_jumppad:
0x0: {  	(pc) =	sbr.rel $0x88, $3  }
0x1: {  	(tag) =	ssettag $0x0;
	lr =	simm.s32 $0x1  }
0x2: {  	[smem:$0x3F9D] =	sst lr;
	_ =	strace $0xD0000000  }
0x3: {  	_ = 	snop  }
0x4: {  	_ = 	snop  }
0x5: {  	_ = 	snop  }
0x6: {  	_ = 	snop  }
0x7: {  	_ = 	snop  }
__scs_overlays_trampoline_lowered:
0x8: {  	[smem:$0x3FAC] =	sst s0  }
0x9: {  	[smem:$0x3FAD] =	sst s1  }
0xa: {  	[smem:$0x3FAE] =	sst s2  }
0xb: {  	[smem:$0x3FAF] =	sst s3  }
0xc: {  	[smem:$0x3FB0] =	sst s4  }
0xd: {  	[smem:$0x3FB1] =	sst s5  }
0xe: {  	[smem:$0x3FB2] =	sst s6  }
0xf: {  	[smem:$0x3FB3] =	sst s7  }
0x10: {  	[smem:$0x3FB4] =	sst s8  }
0x11: {  	[smem:$0x3FB5] =	sst s9;
	s0 =	simm.s32 @!p0 $0x0  }
0x12: {  	s1 =	sld [smem:$0x3F9B];
	s0 =	simm.s32 @p0 $0x1  }
0x13: {  	[smem:$0x3FB6] =	sst s0;
	s0 =	simm.s32 @!p1 $0x0  }
0x14: {  	s2 =	sld [smem:$0x3F9A];
	s0 =	simm.s32 @p1 $0x1  }
0x15: {  	[smem:$0x3FB7] =	sst s0;
	s0 =	simm.s32 @!p2 $0x0  }
0x16: {  	s3 =	sld [smem:$0x3FDB];
	s0 =	simm.s32 @p2 $0x1  }
0x17: {  	s4 =	simm.s32 $0x1BF5;
	[smem:$0x3FB9] =	sst s0  }
0x18: {  	s0 =	sld [smem:$0x3F9C];
	_ =	swait.ge [sflag:s4], $0x0  }
0x19: {  	s7 =	sld [smem:$0x3F9D]  }
0x1a: {  	s8 =	sadd.s32 $0xFFFFE003, lr  }
0x1b: {  	s9 =	sadd.s32 $0xFFFFFEF7, lr;
	s5 =	simm.s32 $0xFFFFFFFF;
	p2 =	slt.u32 s8, $0xFFFFF086  }
0x1c: {  	p1 =	slt.u32 s9, $0xF7A;
	s5 =	simm.s32 @!p2 $0x0  }
0x1d: {  	s5 =	simm.s32 @p1 $0x1;
	p0 =	seq.s32 s7, s2  }
0x1e: {  	s7 =	smul.u32 @!p0 $0xF7A, s2;
	p2 =	seq.s32 @!p0 s5, $0x0  }
0x1f: {  	s9 =	smul.u32 $0xF7A, s1;
	s8 =	simm.s32 @!p0 $0x1BF5;
	p2 =	por !p2, p0  }
0x20: {  	[sflag:s8] =	ssyncset.s32 @!p0 $0xFFFFF086;
	s6 =	sadd.s32 @!p0 s3, s7;
	s7 =	simm.s32 @!p0 $0x108  }
0x21: {  	s3 =	sadd.s32 s3, s9;
	s6 =	sadd.s32 @!p0 $0x88, s6;
	s7 =	simm.s32 @p2 $0x1082  }
0x22: {  	[simem:s7], [sflag:s8] =	dma.local @!p0 [hbm:s6], $0xF7A  }
0x23: {  	s9 =	sor.u32 $0xD0000000, s2;
	s6 =	simm.s32 $0x108;
	_ =	swait.ge @!p0 [sflag:s8], $0x0  }
0x24: {  	s3 =	sadd.s32 $0x88, s3;
	s6 =	simm.s32 @!p1 $0x1082;
	[sflag:s4] =	ssyncset.s32 $0xFFFFF086  }
0x25: {  	[simem:s6], [sflag:s4] =	dma.local [hbm:s3], $0xF7A  }
0x26: {  	[smem:$0x3F9D] =	sst s1;
	(tag) =	ssettag s2;
	_ =	strace s9  }
0x27: {  	s1 =	sld [smem:$0x3FAD]  }
0x28: {  	s2 =	sld [smem:$0x3FAE]  }
0x29: {  	s4 =	sld [smem:$0x3FB0]  }
0x2a: {  	p0 =	seq.s32 s5, $0x0;
	s5 =	sld [smem:$0x3FB1]  }
0x2b: {  	s6 =	sld [smem:$0x3FB2]  }
0x2c: {  	s7 =	sld [smem:$0x3FB3]  }
0x2d: {  	s3 =	simm.s32 $0x108;
	s8 =	sld [smem:$0x3FB4]  }
0x2e: {  	s3 =	simm.s32 @!p0 $0x1082;
	s9 =	sld [smem:$0x3FB5]  }
0x2f: {  	lr =	sadd.s32 s0, s3;
	s0 =	sld [smem:$0x3FAC]  }
0x30: {  	s3 =	sld [smem:$0x3FAF]  }
0x31: {  	[smem:$0x3FB8] =	sst s10  }
0x32: {  	s10 =	sld [smem:$0x3FB6];
	_ =	sdelay $0x3  }
0x33: {  	p0 =	seq.s32 s10, $0x1;
	s10 =	sld [smem:$0x3FB8];
	_ =	sdelay $0x3  }
0x34: {  	[smem:$0x3FB8] =	sst s10  }
0x35: {  	s10 =	sld [smem:$0x3FB7];
	_ =	sdelay $0x3  }
0x36: {  	p1 =	seq.s32 s10, $0x1;
	s10 =	sld [smem:$0x3FB8];
	_ =	sdelay $0x3  }
0x37: {  	[smem:$0x3FB8] =	sst s10  }
0x38: {  	s10 =	sld [smem:$0x3FB9]  }
0x39: {  	_ = 	snop;
	(pc) =	sbr.ind lr, $3  }
0x3a: {  	_ = 	snop  }
0x3b: {  	_ = 	snop  }
0x3c: {  	p2 =	seq.s32 s10, $0x1;
	s10 =	sld [smem:$0x3FB8]  }
0x3d: {  	_ =	shalt  }
0x3e: {  	_ =	shalt  }
0x3f: {  	_ =	shalt  }
0x40: {  	_ =	shalt  }
0x41: {  	_ =	shalt  }
0x42: {  	_ =	shalt  }
0x43: {  	_ =	shalt  }
0x44: {  	_ =	shalt  }
0x45: {  	_ =	shalt  }
0x46: {  	_ =	shalt  }
0x47: {  	_ =	shalt  }
0x48: {  	_ =	shalt  }
0x49: {  	_ =	shalt  }
0x4a: {  	_ =	shalt  }
0x4b: {  	_ =	shalt  }
0x4c: {  	_ =	shalt  }
0x4d: {  	_ =	shalt  }
0x4e: {  	_ =	shalt  }
0x4f: {  	_ =	shalt  }
0x50: {  	_ =	shalt  }
0x51: {  	_ =	shalt  }
0x52: {  	_ =	shalt  }
0x53: {  	_ =	shalt  }
0x54: {  	_ =	shalt  }
0x55: {  	_ =	shalt  }
0x56: {  	_ =	shalt  }
0x57: {  	_ =	shalt  }
0x58: {  	_ =	shalt  }
0x59: {  	_ =	shalt  }
0x5a: {  	_ =	shalt  }
0x5b: {  	_ =	shalt  }
0x5c: {  	_ =	shalt  }
0x5d: {  	_ =	shalt  }
0x5e: {  	_ =	shalt  }
0x5f: {  	_ =	shalt  }
0x60: {  	_ =	shalt  }
0x61: {  	_ =	shalt  }
0x62: {  	_ =	shalt  }
0x63: {  	_ =	shalt  }
0x64: {  	_ =	shalt  }
0x65: {  	_ =	shalt  }
0x66: {  	_ =	shalt  }
0x67: {  	_ =	shalt  }
0x68: {  	_ =	shalt  }
0x69: {  	_ =	shalt  }
0x6a: {  	_ =	shalt  }
0x6b: {  	_ =	shalt  }
0x6c: {  	_ =	shalt  }
0x6d: {  	_ =	shalt  }
0x6e: {  	_ =	shalt  }
0x6f: {  	_ =	shalt  }
0x70: {  	_ =	shalt  }
0x71: {  	_ =	shalt  }
0x72: {  	_ =	shalt  }
0x73: {  	_ =	shalt  }
0x74: {  	_ =	shalt  }
0x75: {  	_ =	shalt  }
0x76: {  	_ =	shalt  }
0x77: {  	_ =	shalt  }
0x78: {  	_ =	shalt  }
0x79: {  	_ =	shalt  }
0x7a: {  	_ =	shalt  }
0x7b: {  	_ =	shalt  }
0x7c: {  	_ =	shalt  }
0x7d: {  	_ =	shalt  }
0x7e: {  	_ =	shalt  }
0x7f: {  	_ =	shalt  }
0x80: {  	_ =	shalt  }
0x81: {  	_ =	shalt  }
0x82: {  	_ =	shalt  }
0x83: {  	_ =	shalt  }
0x84: {  	_ =	shalt  }
0x85: {  	_ =	shalt  }
0x86: {  	_ =	shalt  }
0x87: {  	_ =	shalt  }
.Lfunc_end0:
.L_simem_size_0:
called_computation_lowered:
.L_overlay_start_0:
0x88: {  	s2 =	sld [smem:$0x3FD9]  }
0x89: {  	s3 =	sld [smem:$0x3FFE];
	_ =	sdelay $0x1  }
0x8a: {  	s1 =	srdreg.scid  }
0x8b: {  	s0 =	sand.u32 $0x1, s1  }
0x8c: {  	s17 =	sshll.u32 s0, $0xA;
	s2 =	sadd.s32 s3, s2  }
0x8d: {  	s2 =	sadd.s32 s2, s17  }
0x8e: {  	[smem:$0x3FC4] =	sst s2  }
0x8f: {  	_ = 	snop  }
0x90: {  	s2 =	sld [smem:$0x3FC9]  }
0x91: {  	s18 =	sld [smem:$0x3FD0];
	(tm) =	ssettm $0x1  }
0x92: {  	s4 =	sld [smem:$0x3FFB];
	_ =	sdelay $0x3  }
0x93: {  	_ =	strace s4  }
0x94: {  	s4 =	sld [smem:$0x3FFC];
	_ =	sdelay $0x3  }
0x95: {  	_ =	strace s4  }
0x96: {  	s4 =	sld [smem:$0x3FFD];
	_ =	sdelay $0x3  }
0x97: {  	_ =	strace s4  }
0x98: {  	_ =	strace $0x8FFFFFFF  }
0x99: {  	s19 =	sld [smem:$0x3FDB];
	_ =	sdelay $0x1  }
0x9a: {  	s5 =	simm.s32 $_scs_section_size  }
0x9b: {  	s6 =	simm.s32 $_size__tile_overlayer_lowered;
	s7 =	simm.s32 $_tile_overlayer_lowered  }
0x9c: {  	s22 =	simm.s32 $0x1BFF;
	s21 =	sshll.u32 s7, $0x1;
	s4 =	sadd.s32 s5, s19  }
0x9d: {  	s8 =	simm.s32 $0x0;
	s20 =	sshll.u32 s6, $0x1;
	s6 =	sadd.s32 s21, s4  }
0x9e: {  	[timem:s8], [sflag:s22] =	dma.local [hbm:s6], s20  }
0x9f: {  	_ =	swait.ge [sflag:s22], s20  }
0xa0: {  	s5 =	ssub.s32 $0x0, s20;
	[sflag:s22] =	ssyncset.done $0x0  }
0xa1: {  	[sflag:s22] =	ssyncadd.s32 s5;
	_ =	sdelay $0x1  }
0xa2: {  	s23 =	simm.s32 $0x1B8B  }
0xa3: {  	_ =	swait.ge [sflag:s23], $0x1  }
0xa4: {  	[sflag:s23] =	ssyncset.done $0x0  }
0xa5: {  	s25 =	simm.s32 $0x1B8E;
	s24 =	sld [smem:$0x3FFE];
	[sflag:s23] =	ssyncadd.s32 $0xFFFFFFFF  }
0xa6: {  	s26 =	simm.s32 $execute0_lowered;
	[smem:$0x3FD2] =	sst s25  }
0xa7: {  	s6 =	sshll.u32 s26, $0x1;
	_ =	strace $0x80000046;
	[dreg:$0x1] =	wrdreg $0xFFFFFFFF  }
0xa8: {  	s28 =	simm.s32 $_size_execute0_lowered;
	s4 =	sadd.s32 s4, s6;
	[dreg:$0x0] =	wrdreg $0x0  }
0xa9: {  	s6 =	sshll.u32 s28, $0x1;
	[dreg:$0x2] =	wrdreg s4  }
0xaa: {  	[dreg:$0x3] =	wrdreg s6  }
0xab: {  	[dreg:$0x4] =	wrdreg $0xC0  }
0xac: {  	_ =	task [dreg:s8], $0x5FFFF  }
0xad: {  	[dreg:$0x1] =	wrdreg $0xFFFFFFFF  }
0xae: {  	[dreg:$0x0] =	wrdreg $0x60  }
0xaf: {  	[dreg:$0x2] =	wrdreg s2  }
0xb0: {  	[dreg:$0x3] =	wrdreg s24  }
0xb1: {  	[dreg:$0x4] =	wrdreg s18  }
0xb2: {  	[dreg:$0x5] =	wrdreg $0x9  }
0xb3: {  	_ =	task.clear_ibuf [dreg:s8], $0x6FFFF;
	_ =	strace $0x90000046  }
0xb4: {  	s29 =	simm.s32 $0x9;
	_ =	strace $0x80000048  }
0xb5: {  	_ =	swait.ge [sflag:s29], $0x1  }
0xb6: {  	[sflag:s29] =	ssyncadd.s32 $0xFFFFFFFF  }
0xb7: {  	_ =	strace $0x90000048  }
0xb8: {  	_ =	sfence  }
0xb9: {  	s30 =	sld [smem:$0x0];
	_ =	sdelay $0x2  }
0xba: {  	s31 =	sshll.u32 s1, $0xD;
	s1 =	sshrl.u32 s1, $0x2  }
0xbb: {  	s3 =	sand.u32 $0x4000, s31;
	s1 =	sadd.s32 s1, s30  }
0xbc: {  	s0 =	sor.u32 s3, s0;
	s1 =	sshll.u32 s1, $0x11  }
0xbd: {  	s0 =	sor.u32 s1, s0  }
0xbe: {  	s0 =	sadd.s32 $0x8F2B, s0  }
0xbf: {  	[sflag:s0] =	ssyncadd.remote.s32 $0x1  }
0xc0: {  	_ =	sfence.sel $0xFFFF  }
0xc1: {  	[dreg:$0x0] =	wrdreg $0xFFFFFFFF;
	(pc) =	sbr.abs _section_cstart, $3  }
0xc2: {  	[dreg:$0x1] =	wrdreg $0xFFFFFFFF  }
0xc3: {  	_ =	task.clear_ibuf [dreg:s8], $0x2FFFF;
	_ =	strace $0x9FFFFFFF  }
0xc4: {  	(tm) =	ssettm $0x7FFFFFFF  }
0xc5: {  	_ =	shalt  }
tec
execute0_lowered:
.L_overlay_start_1:
0x0: {  	(tag) =	ssettag $0x1  }
0x1: {  	s4 =	rddreg [dreg:$0x0]  }
0x2: {  	s3 =	rddreg [dreg:$0x1]  }
0x3: {  	s5 =	rddreg [dreg:$0x2]  }
0x4: {  	s0 =	rddreg [dreg:$0x3];
	s2 =	simm.s32 $0x0  }
0x5: {  	s6 =	srdreg.scid;
	s1 =	stileid.u32;
	s10 =	simm.s32 $0x208  }
0x6: {  	[smem:$0x7FF] =	sst s2;
	s6 =	sand.u32 $0x1, s6;
	s7 =	sshll.u32 s1, $0x1  }
.Ltmp0:
0x7: {  	s3 =	sadd.s32 $0xF42A00, s3;
	s8 =	ssub.s32 $0x2, s6;
	(pc) =	sbr.rel .LBB2_1-.Ltmp0, $4  }
0x8: {  	_ =	strace $0x80000047;
	s7 =	sor.u32 s6, s7;
	s31 =	sshrl.u32 s8, $0x1  }
0x9: {  	s9 =	sshll.u32 s7, $0x3;
	s4 =	sadd.s32 s4, s7;
	p0 =	sgt.u32 s7, $0x18  }
0xa: {  	s7 =	simm.s32 $0x2;
	s6 =	ssub.s32 s8, s31;
	s5 =	sadd.s32 s5, s9  }
0xb: {  	s8 =	simm.s32 $0x8;
	s9 =	simm.s32 $0x1;
	s6 =	smax.u32 s6, $0x1  }
.LBB2_3:
0xc: {  	v0 =	vimm.f32 $0.0e+00  }
0xd: {  	[tilespmem:$0x208] =	vst v0  }
0xe: {  	[tilespmem:$0x218] =	vst v0  }
0xf: {  	[tilespmem:$0x228] =	vst v0  }
.LBB2_4:
0x10: {  	s6 =	sadd.s32 $0xFFFFFFFF, s6  }
0x11: {  	p1 =	sne.s32 s6, $0x0  }
.Ltmp1:
0x12: {  	[tilespmem:$0x238] =	vst v0;
	(pc) =	sbr.rel @!p1 .LBB2_5-.Ltmp1, $4  }
0x13: {  	[hbm4b:s5+s2] =	stream.linear.scatter [tilespmem:s10], [sflag:$0x2], $0x40, $0x38;
	[tilespmem:$0x248] =	vst v63  }
0x14: {  	_ =	swait.ge [sflag:s7], $0x40  }
0x15: {  	[sflag:s7] =	ssyncset.done $0x0  }
0x16: {  	[sflag:s7] =	ssyncadd.s32 $0xFFFFFFC0  }
.LBB2_1:
.Ltmp2:
0x17: {  	(pc) =	sbr.rel @p0 .LBB2_3-.Ltmp2, $1  }
0x18: {  	_ =	sdelay $0x3  }
0x19: {  	[tilespmem:s2], [sflag:$0x2] =	stream.linear.gather [hbm4b:s4+s2], $0x8, $0x38;
	[tilespmem:$0x248] =	vst v63  }
0x1a: {  	_ =	swait.ge [sflag:s7], $0x8  }
0x1b: {  	[sflag:s7] =	ssyncset.done $0x0  }
0x1c: {  	[sflag:s7] =	ssyncadd.s32 $0xFFFFFFF8  }
0x1d: {  	[tilespmem:s8], [sflag:$0x1] =	stream.indirect.gather [hbm4b:s3+s8], $0x40, s2, s8, $0xb8;
	[tilespmem:$0x248] =	vst v63  }
0x1e: {  	_ =	swait.ge [sflag:s9], $0x200  }
0x1f: {  	[sflag:s9] =	ssyncset.done $0x0  }
0x20: {  	[sflag:s9] =	ssyncadd.s32 $0xFFFFFE00  }
0x21: {  	v0 =	vld [tilespmem:$0x8]  }
0x22: {  	v1 =	vld [tilespmem:$0x48]  }
0x23: {  	v2 =	vld [tilespmem:$0x88]  }
0x24: {  	v3 =	vld [tilespmem:$0xC8]  }
0x25: {  	v4 =	vld [tilespmem:$0x108]  }
0x26: {  	v5 =	vld [tilespmem:$0x148]  }
0x27: {  	v6 =	vld [tilespmem:$0x188]  }
0x28: {  	v7 =	vld [tilespmem:$0x1C8]  }
0x29: {  	v8 =	vld [tilespmem:$0x18]  }
0x2a: {  	v9 =	vld [tilespmem:$0x58]  }
0x2b: {  	v10 =	vld [tilespmem:$0x98]  }
0x2c: {  	v11 =	vld [tilespmem:$0xD8]  }
0x2d: {  	v12 =	vld [tilespmem:$0x118]  }
0x2e: {  	v13 =	vld [tilespmem:$0x158]  }
0x2f: {  	v14 =	vld [tilespmem:$0x198]  }
0x30: {  	v16 =	vld [tilespmem:$0x28]  }
0x31: {  	v17 =	vld [tilespmem:$0x68]  }
0x32: {  	v15 =	vld [tilespmem:$0x1D8]  }
0x33: {  	v18 =	vld [tilespmem:$0xA8]  }
0x34: {  	v19 =	vld [tilespmem:$0x38]  }
0x35: {  	v0 =	vadd.f32 v1, v0;
	v1 =	vld [tilespmem:$0x78]  }
0x36: {  	v20 =	vld [tilespmem:$0xE8];
	v55 =	vadd.f32 v17, v16  }
0x37: {  	v54 =	vld [tilespmem:$0xB8];
	v0 =	vadd.f32 v2, v0;
	v2 =	vadd.f32 v9, v8  }
0x38: {  	v56 =	vld [tilespmem:$0x128];
	v9 =	vadd.f32 v18, v55  }
0x39: {  	v0 =	vadd.f32 v3, v0;
	v2 =	vadd.f32 v10, v2;
	v3 =	vld [tilespmem:$0xF8]  }
0x3a: {  	v57 =	vld [tilespmem:$0x168];
	v1 =	vadd.f32 v1, v19  }
0x3b: {  	v58 =	vld [tilespmem:$0x138];
	v9 =	vadd.f32 v20, v9;
	v2 =	vadd.f32 v11, v2  }
0x3c: {  	v59 =	vld [tilespmem:$0x1A8];
	v0 =	vadd.f32 v4, v0;
	v1 =	vadd.f32 v54, v1  }
0x3d: {  	v60 =	vld [tilespmem:$0x178];
	v9 =	vadd.f32 v56, v9;
	v2 =	vadd.f32 v12, v2  }
0x3e: {  	v61 =	vld [tilespmem:$0x1B8];
	v0 =	vadd.f32 v5, v0;
	v1 =	vadd.f32 v3, v1  }
0x3f: {  	v9 =	vadd.f32 v57, v9;
	v3 =	vld [tilespmem:$0x1E8];
	v2 =	vadd.f32 v13, v2  }
0x40: {  	v0 =	vadd.f32 v6, v0;
	v1 =	vadd.f32 v58, v1  }
0x41: {  	v62 =	vld [tilespmem:$0x1F8];
	v63 =	vadd.f32 v59, v9;
	v2 =	vadd.f32 v14, v2  }
0x42: {  	v0 =	vadd.f32 v7, v0;
	v1 =	vadd.f32 v60, v1  }
0x43: {  	v2 =	vadd.f32 v15, v2  }
.Ltmp3:
0x44: {  	v3 =	vadd.f32 v3, v63;
	v0 =	vmul.f32 $4.999999890e-03, v0;
	v1 =	vadd.f32 v61, v1;
	(pc) =	sbr.rel .LBB2_4-.Ltmp3, $4  }
0x45: {  	v2 =	vmul.f32 $4.999999890e-03, v2  }
0x46: {  	[tilespmem:$0x208] =	vst v0;
	v0 =	vadd.f32 v62, v1;
	v1 =	vmul.f32 $4.999999890e-03, v3  }
0x47: {  	[tilespmem:$0x218] =	vst v2  }
0x48: {  	[tilespmem:$0x228] =	vst v1;
	v0 =	vmul.f32 $4.999999890e-03, v0  }
.LBB2_5:
0x49: {  	_ =	sfence.sel $0x180000  }
0x4a: {  	[bflag:$0x0] =	sbarrier.arrive $0xFFFF  }
0x4b: {  	p0 =	sne.s32 s1, $0x0;
	_ =	strace $0x90000047  }
0x4c: {  	s0 =	sadd.s32 @!p0 $0x100000, s0;
	[bflag:$0x2] =	sbarrier.arrive $0xFFFF  }
0x4d: {  	[sflag:s0] =	ssyncadd.tile.s32 @!p0 $0x1;
	_ =	shalt  }
.Lfunc_end2:
_tile_overlayer_lowered:
.L_overlay_start_2:
0x4e: {  	(tag) =	ssettag $0x2  }
0x4f: {  	s0 =	rddreg [dreg:$0x0];
	s2 =	stileid.u32  }
0x50: {  	s1 =	rddreg [dreg:$0x1];
	p0 =	sne.s32 s2, $0x0  }
0x51: {  	s3 =	rddreg [dreg:$0x2];
	[bflag:$0x3] =	sbarrier.arrive $0xFFFF;
	s2 =	simm.s32 @!p0 $0x1C02  }
0x52: {  	[timem:s3], [sflag:s2] =	dma.local @!p0 [hbm:s0], s1  }
0x53: {  	s0 =	simm.s32 @!p0 $0x2  }
0x54: {  	_ =	swait.ge @!p0 [sflag:s0], s1  }
0x55: {  	s1 =	ssub.s32 @!p0 $0x0, s1;
	[sflag:s0] =	ssyncset.done @!p0 $0x0  }
0x56: {  	[sflag:s0] =	ssyncadd.s32 @!p0 s1  }
0x57: {  	[bflag:$0x3] =	sbarrier.arrive $0xFFFF  }
0x58: {  	_ =	shalt  }

</sc_bundles>
